<compile_context>
chip_gen: v7x
topology: tpu7x:2x2x1
jax: 0.10.2.dev20260603
libtpu: 0.0.44.dev20260713+nightly
codegen_flags: <defaults>
</compile_context>

<pallas_src>
import jax
import jax.numpy as jnp
from jax import lax
from jax.experimental import pallas as pl
from jax.experimental.pallas import tpu as pltpu
from jax.experimental.pallas import tpu_sc as plsc

_VOCAB, _D, _H, _OUT = 1000000, 64, 512, 3
_B, _L = 4096, 200

_NC, _NS, _LANES = 2, 16, 16
_NW = _NC * _NS
_SEQ_PER_W = _B // _NW
_C0, _C1 = 128, _L - 128


def _pool_body(vec_hbm, tab_hbm, e0_hbm, out_hbm, idx_v, rows_a, rows_b,
               emb0_v, out_v, sem):
    cid = lax.axis_index("c")
    sid = lax.axis_index("s")
    wid = sid * _NC + cid
    base = wid * _SEQ_PER_W

    pltpu.sync_copy(e0_hbm, emb0_v)

    idx_v[pl.ds(192, _LANES)] = jnp.ones((_LANES,), jnp.int32)

    zero_f = jnp.zeros((_LANES,), jnp.float32)

    def seq_body(i, carry):
        b = base + i
        pltpu.sync_copy(vec_hbm.at[pl.ds(b * _L, _L)], idx_v.at[pl.ds(0, _L)])
        cp0 = pltpu.async_copy(tab_hbm.at[idx_v.at[pl.ds(0, _C0)]], rows_a, sem)
        cp1 = pltpu.async_copy(tab_hbm.at[idx_v.at[pl.ds(_C0, _C1)]], rows_b, sem)
        cp0.wait()
        cp1.wait()

        n0v = jnp.zeros((_LANES,), jnp.int32)
        for j in range(13):
            v = idx_v[pl.ds(j * _LANES, _LANES)]
            n0v = n0v + jnp.where(v == 0, 1, 0).astype(jnp.int32)
        n0 = n0v[0]
        for k in range(1, _LANES):
            n0 = n0 + n0v[k]

        def make_row_body(rows_ref):
            def row_body(t, accs_in):
                a0, a1, a2, a3 = accs_in
                a0 = a0 + rows_ref[t, pl.ds(0, _LANES)]
                a1 = a1 + rows_ref[t, pl.ds(_LANES, _LANES)]
                a2 = a2 + rows_ref[t, pl.ds(2 * _LANES, _LANES)]
                a3 = a3 + rows_ref[t, pl.ds(3 * _LANES, _LANES)]
                return (a0, a1, a2, a3)
            return row_body

        accs = lax.fori_loop(0, _C0, make_row_body(rows_a),
                             (zero_f, zero_f, zero_f, zero_f))
        accs = lax.fori_loop(0, _C1, make_row_body(rows_b), accs)

        n0f = jnp.broadcast_to(n0.astype(jnp.float32), (_LANES,))
        inv = 1.0 / ((jnp.float32(_L) - n0f) + 1e-8)
        for j in range(4):
            e = emb0_v[pl.ds(j * _LANES, _LANES)]
            out_v[pl.ds(i * _D + j * _LANES, _LANES)] = (accs[j] - n0f * e) * inv
        return carry

    lax.fori_loop(0, _SEQ_PER_W, seq_body, 0)
    pltpu.sync_copy(out_v, out_hbm.at[pl.ds(base * _D, _SEQ_PER_W * _D)])


@jax.jit
def _pool(vec_flat, emb_table, e0):
    mesh = plsc.VectorSubcoreMesh(core_axis_name="c", subcore_axis_name="s")
    out_flat = pl.kernel(
        _pool_body,
        out_type=jax.ShapeDtypeStruct((_B * _D,), jnp.float32),
        mesh=mesh,
        scratch_types=[
            pltpu.VMEM((208,), jnp.int32),
            pltpu.VMEM((_C0, _D), jnp.float32),
            pltpu.VMEM((_C1, _D), jnp.float32),
            pltpu.VMEM((_D,), jnp.float32),
            pltpu.VMEM((_SEQ_PER_W * _D,), jnp.float32),
            pltpu.SemaphoreType.DMA,
        ],
        compiler_params=pltpu.CompilerParams(use_tc_tiling_on_sc=False),
    )(vec_flat, emb_table, e0)
    return out_flat.reshape(_B, _D)


_BLK = 512


def _mlp_body(x_ref, w1_ref, b1_ref, g1_ref, be1_ref, w2_ref, b2_ref, g2_ref,
              be2_ref, w3_ref, b3_ref, o_ref):
    def ln(h, g, be):
        mu = jnp.mean(h, axis=-1, keepdims=True)
        var = jnp.mean(jnp.square(h - mu), axis=-1, keepdims=True)
        return (h - mu) * lax.rsqrt(var + 1e-5) * g + be

    x = x_ref[...]
    h = jnp.dot(x, w1_ref[...], preferred_element_type=jnp.float32) + b1_ref[...]
    h = jnp.maximum(ln(h, g1_ref[...], be1_ref[...]), 0.0)
    h = jnp.dot(h, w2_ref[...], preferred_element_type=jnp.float32) + b2_ref[...]
    h = jnp.maximum(ln(h, g2_ref[...], be2_ref[...]), 0.0)
    o_ref[...] = jnp.dot(h, w3_ref[...], preferred_element_type=jnp.float32) + b3_ref[...]


@jax.jit
def _mlp(x, W1, b1, g1, be1, W2, b2, g2, be2, W3p, b3p):
    grid = (_B // _BLK,)
    full = lambda shape: pl.BlockSpec(shape, lambda i: (0, 0))
    return pl.pallas_call(
        _mlp_body,
        grid=grid,
        in_specs=[
            pl.BlockSpec((_BLK, _D), lambda i: (i, 0)),
            full((_D, _H)), full((1, _H)), full((1, _H)), full((1, _H)),
            full((_H, _H)), full((1, _H)), full((1, _H)), full((1, _H)),
            full((_H, 128)), full((1, 128)),
        ],
        out_specs=pl.BlockSpec((_BLK, 128), lambda i: (i, 0)),
        out_shape=jax.ShapeDtypeStruct((_B, 128), jnp.float32),
    )(x, W1, b1, g1, be1, W2, b2, g2, be2, W3p, b3p)


def kernel(vector, emb_table, W1, b1, g1, be1, W2, b2, g2, be2, W3, b3):
    vec_flat = vector.astype(jnp.int32).reshape(-1)
    pooled = _pool(vec_flat, emb_table, emb_table[0])
    W3p = jnp.pad(W3, ((0, 0), (0, 128 - _OUT)))
    b3p = jnp.pad(b3, (0, 128 - _OUT))
    out = _mlp(
        pooled,
        W1, b1.reshape(1, _H), g1.reshape(1, _H), be1.reshape(1, _H),
        W2, b2.reshape(1, _H), g2.reshape(1, _H), be2.reshape(1, _H),
        W3p, b3p.reshape(1, 128),
    )
    return out[:, :_OUT]

# --- scband reference (transcript-rebuilt; emitter-appended) ---
"""Pipeline reference for scband-fcnwith-w2-vembedding-12421045420795 (READ-ONLY COPY).

The authoritative reference and input builder live on the scoring server;
editing this copy changes nothing except your own understanding.
"""

import jax, jax.numpy as jnp
import numpy as np

VOCAB, D, H, OUT = 1000000, 64, 512, 3
B, L = 4096, 200

def layer_norm(x, g, b, eps=1e-5):
    mu = jnp.mean(x, axis=-1, keepdims=True)
    var = jnp.var(x, axis=-1, keepdims=True)
    return (x - mu) / jnp.sqrt(var + eps) * g + b

def setup_inputs(seed: int = 0) -> dict:
    key = jax.random.key(seed)
    ks = jax.random.split(key, 12)
    inp = {}
    inp['vector'] = jax.random.randint(ks[0], (B, L), 0, VOCAB, dtype=jnp.int32)
    inp['emb_table'] = jax.random.normal(ks[1], (VOCAB, D), dtype=jnp.float32) * 0.02
    inp['W1'] = jax.random.normal(ks[2], (D, H), dtype=jnp.float32) * (1.0 / np.sqrt(D))
    inp['b1'] = jnp.zeros((H,), dtype=jnp.float32)
    inp['g1'] = jnp.ones((H,), dtype=jnp.float32)
    inp['be1'] = jnp.zeros((H,), dtype=jnp.float32)
    inp['W2'] = jax.random.normal(ks[3], (H, H), dtype=jnp.float32) * (1.0 / np.sqrt(H))
    inp['b2'] = jnp.zeros((H,), dtype=jnp.float32)
    inp['g2'] = jnp.ones((H,), dtype=jnp.float32)
    inp['be2'] = jnp.zeros((H,), dtype=jnp.float32)
    inp['W3'] = jax.random.normal(ks[4], (H, OUT), dtype=jnp.float32) * (1.0 / np.sqrt(H))
    inp['b3'] = jnp.zeros((OUT,), dtype=jnp.float32)
    return inp

def reference(vector, emb_table, W1, b1, g1, be1, W2, b2, g2, be2, W3, b3):
    x_idx = vector.astype(jnp.int32)
    mask = (x_idx != 0).astype(jnp.float32)
    x = jnp.take(emb_table, x_idx, axis=0)  # [B, L, D] embedding gather
    # mean aggregation over non-pad tokens
    x = (x * mask[..., None]).sum(axis=1) / (mask.sum(axis=1, keepdims=True) + 1e-8)
    x = x @ W1 + b1
    x = layer_norm(x, g1, be1)
    x = jax.nn.relu(x)
    # dropout_rate=0.0 -> identity (eval mode)
    x = x @ W2 + b2
    x = layer_norm(x, g2, be2)
    x = jax.nn.relu(x)
    x = x @ W3 + b3
    return x

if __name__ == "__main__":
    import jax
    _d = setup_inputs()
    print(jax.jit(kernel)(*tuple(_d.values())))

</pallas_src>

<mosaic_0001>
#map = affine_map<(d0, d1) -> (0)>
#map1 = affine_map<(d0, d1) -> (0, 0)>
module attributes {stable_mosaic.version = 14 : i64} {
  func.func @_pool_body(%arg0: i32, %arg1: i32, %arg2: memref<819200xi32, #tpu.memory_space<hbm>>, %arg3: memref<1000000x64xf32, #tpu.memory_space<hbm>>, %arg4: memref<64xf32, #tpu.memory_space<hbm>>, %arg5: memref<262144xf32, #tpu.memory_space<hbm>>, %arg6: memref<208xi32, #tpu.memory_space<vmem>>, %arg7: memref<128x64xf32, #tpu.memory_space<vmem>>, %arg8: memref<72x64xf32, #tpu.memory_space<vmem>>, %arg9: memref<64xf32, #tpu.memory_space<vmem>>, %arg10: memref<8192xf32, #tpu.memory_space<vmem>>, %arg11: memref<!tpu.dma_semaphore, #tpu.memory_space<semaphore_mem>>) attributes {dimension_semantics = [#tpu.dimension_semantics<core_parallel>, #tpu.dimension_semantics<subcore_parallel>], iteration_bounds = array<i64: 2, 16>, scalar_prefetch = 0 : i64, scratch_operands = 6 : i64, tpu.core_type = #tpu.core_type<sc_vector_subcore>, window_params = [{transform_indices = #map}, {transform_indices = #map1}, {transform_indices = #map}, {transform_indices = #map}]} {
    %mul3A = arith.constant 2 : i32
    %mul3A_0 = arith.muli %arg1, %mul3A : i32
    %add3A = arith.addi %mul3A_0, %arg0 : i32
    %mul3A_1 = arith.constant 128 : i32
    %mul3A_2 = arith.muli %add3A, %mul3A_1 : i32
    "tpu.region"() ({
      %run_scoped3A = tpu.sem_alloc : memref<!tpu.dma_semaphore, #tpu.memory_space<semaphore_mem>>
      tpu.enqueue_dma source(%arg4 : memref<64xf32, #tpu.memory_space<hbm>>) target(%arg9 : memref<64xf32, #tpu.memory_space<vmem>>) target_semaphore(%run_scoped3A : memref<!tpu.dma_semaphore, #tpu.memory_space<semaphore_mem>>)
      tpu.wait_dma2 semaphore(%run_scoped3A : memref<!tpu.dma_semaphore, #tpu.memory_space<semaphore_mem>>) src(%arg4 : memref<64xf32, #tpu.memory_space<hbm>>) dst(%arg9 : memref<64xf32, #tpu.memory_space<vmem>>)
      tpu.yield
    }) : () -> ()
    %broadcast_in_dim3A = arith.constant 1 : i32
    %broadcast_in_dim3A_3 = vector.broadcast %broadcast_in_dim3A : i32 to vector<16xi32>
    %swap3A = arith.constant 192 : index
    %swap3A_4 = tpu.vector_load %arg6[%swap3A] {strides = array<i32>} : memref<208xi32, #tpu.memory_space<vmem>>, vector<16xi32>,
    %swap3A_5 = vector.shape_cast %swap3A_4 : vector<16xi32> to vector<16xi32>
    %swap3A_6 = vector.shape_cast %broadcast_in_dim3A_3 : vector<16xi32> to vector<16xi32>
    tpu.vector_store %arg6[%swap3A], %swap3A_6 {strides = array<i32>} : memref<208xi32, #tpu.memory_space<vmem>>, vector<16xi32>,
    %broadcast_in_dim3A_7 = arith.constant 0.000000e+00 : f32
    %broadcast_in_dim3A_8 = vector.broadcast %broadcast_in_dim3A_7 : f32 to vector<16xf32>
    %scan3A = arith.constant 0 : i32
    %scan3A_9 = arith.constant 0 : i32
    %scan3A_10 = arith.constant 128 : i32
    %scan3A_11 = arith.addi %scan3A_9, %scan3A_10 : i32
    %scan3A_12 = arith.constant 1 : i32
    scf.for %scan3A_16 = %scan3A_9 to %scan3A_11 step %scan3A_12  : i32 {
      %add3A_17 = arith.addi %mul3A_2, %scan3A_16 : i32
      %mul3A_18 = arith.constant 200 : i32
      %mul3A_19 = arith.muli %add3A_17, %mul3A_18 : i32
      "tpu.region"() ({
        %run_scoped3A = tpu.sem_alloc : memref<!tpu.dma_semaphore, #tpu.memory_space<semaphore_mem>>
        %dma_start3A_313 = arith.constant 0 : i32
        %dma_start3A_314 = tpu.memref_slice %arg6[%dma_start3A_313] : memref<208xi32, #tpu.memory_space<vmem>> -> memref<200xi32, #tpu.memory_space<vmem>>
        %dma_start3A_315 = tpu.memref_slice %arg2[%mul3A_19] : memref<819200xi32, #tpu.memory_space<hbm>> -> memref<200xi32, #tpu.memory_space<hbm>>
        %dma_start3A_316 = arith.constant 0 : i32
        %dma_start3A_317 = tpu.memref_slice %arg6[%dma_start3A_316] : memref<208xi32, #tpu.memory_space<vmem>> -> memref<200xi32, #tpu.memory_space<vmem>>
        %dma_start3A_318 = tpu.memref_slice %arg2[%mul3A_19] : memref<819200xi32, #tpu.memory_space<hbm>> -> memref<200xi32, #tpu.memory_space<hbm>>
        tpu.enqueue_dma source(%dma_start3A_318 : memref<200xi32, #tpu.memory_space<hbm>>) target(%dma_start3A_317 : memref<200xi32, #tpu.memory_space<vmem>>) target_semaphore(%run_scoped3A : memref<!tpu.dma_semaphore, #tpu.memory_space<semaphore_mem>>)
        %dma_wait3A_319 = arith.constant 0 : i32
        %dma_wait3A_320 = tpu.memref_slice %arg6[%dma_wait3A_319] : memref<208xi32, #tpu.memory_space<vmem>> -> memref<200xi32, #tpu.memory_space<vmem>>
        %dma_wait3A_321 = tpu.memref_slice %arg2[%mul3A_19] : memref<819200xi32, #tpu.memory_space<hbm>> -> memref<200xi32, #tpu.memory_space<hbm>>
        %dma_wait3A_322 = arith.constant 0 : i32
        %dma_wait3A_323 = tpu.memref_slice %arg6[%dma_wait3A_322] : memref<208xi32, #tpu.memory_space<vmem>> -> memref<200xi32, #tpu.memory_space<vmem>>
        %dma_wait3A_324 = tpu.memref_slice %arg2[%mul3A_19] : memref<819200xi32, #tpu.memory_space<hbm>> -> memref<200xi32, #tpu.memory_space<hbm>>
        tpu.wait_dma2 semaphore(%run_scoped3A : memref<!tpu.dma_semaphore, #tpu.memory_space<semaphore_mem>>) src(%dma_wait3A_324 : memref<200xi32, #tpu.memory_space<hbm>>) dst(%dma_wait3A_323 : memref<200xi32, #tpu.memory_space<vmem>>)
        tpu.yield
      }) : () -> ()
      %dma_start3A = arith.constant 0 : i32
      %dma_start3A_20 = tpu.memref_slice %arg6[%dma_start3A] : memref<208xi32, #tpu.memory_space<vmem>> -> memref<128xi32, #tpu.memory_space<vmem>>
      %dma_start3A_21 = arith.constant 0 : i32
      %dma_start3A_22 = arith.constant 0 : i32
      %dma_start3A_23 = tpu.memref_slice %arg3[%dma_start3A_21, %dma_start3A_22] : memref<1000000x64xf32, #tpu.memory_space<hbm>> -> memref<1000000x64xf32, #tpu.memory_space<hbm>>
      tpu.enqueue_indirect_dma source(%dma_start3A_23 : memref<1000000x64xf32, #tpu.memory_space<hbm>>) target(%arg7 : memref<128x64xf32, #tpu.memory_space<vmem>>) offsets(%dma_start3A_20 : memref<128xi32, #tpu.memory_space<vmem>>) semaphore(%arg11 : memref<!tpu.dma_semaphore, #tpu.memory_space<semaphore_mem>>)
      %dma_start3A_24 = arith.constant 128 : i32
      %dma_start3A_25 = tpu.memref_slice %arg6[%dma_start3A_24] : memref<208xi32, #tpu.memory_space<vmem>> -> memref<72xi32, #tpu.memory_space<vmem>>
      %dma_start3A_26 = arith.constant 0 : i32
      %dma_start3A_27 = arith.constant 0 : i32
      %dma_start3A_28 = tpu.memref_slice %arg3[%dma_start3A_26, %dma_start3A_27] : memref<1000000x64xf32, #tpu.memory_space<hbm>> -> memref<1000000x64xf32, #tpu.memory_space<hbm>>
      tpu.enqueue_indirect_dma source(%dma_start3A_28 : memref<1000000x64xf32, #tpu.memory_space<hbm>>) target(%arg8 : memref<72x64xf32, #tpu.memory_space<vmem>>) offsets(%dma_start3A_25 : memref<72xi32, #tpu.memory_space<vmem>>) semaphore(%arg11 : memref<!tpu.dma_semaphore, #tpu.memory_space<semaphore_mem>>)
      %dma_wait3A = arith.constant 0 : i32
      %dma_wait3A_29 = tpu.memref_slice %arg6[%dma_wait3A] : memref<208xi32, #tpu.memory_space<vmem>> -> memref<128xi32, #tpu.memory_space<vmem>>
      %dma_wait3A_30 = arith.constant 0 : i32
      %dma_wait3A_31 = arith.constant 0 : i32
      %dma_wait3A_32 = tpu.memref_slice %arg3[%dma_wait3A_30, %dma_wait3A_31] : memref<1000000x64xf32, #tpu.memory_space<hbm>> -> memref<1000000x64xf32, #tpu.memory_space<hbm>>
      tpu.wait_indirect_dma semaphore(%arg11 : memref<!tpu.dma_semaphore, #tpu.memory_space<semaphore_mem>>) src(%dma_wait3A_32 : memref<1000000x64xf32, #tpu.memory_space<hbm>>) dst(%arg7 : memref<128x64xf32, #tpu.memory_space<vmem>>)
      %dma_wait3A_33 = arith.constant 128 : i32
      %dma_wait3A_34 = tpu.memref_slice %arg6[%dma_wait3A_33] : memref<208xi32, #tpu.memory_space<vmem>> -> memref<72xi32, #tpu.memory_space<vmem>>
      %dma_wait3A_35 = arith.constant 0 : i32
      %dma_wait3A_36 = arith.constant 0 : i32
      %dma_wait3A_37 = tpu.memref_slice %arg3[%dma_wait3A_35, %dma_wait3A_36] : memref<1000000x64xf32, #tpu.memory_space<hbm>> -> memref<1000000x64xf32, #tpu.memory_space<hbm>>
      tpu.wait_indirect_dma semaphore(%arg11 : memref<!tpu.dma_semaphore, #tpu.memory_space<semaphore_mem>>) src(%dma_wait3A_37 : memref<1000000x64xf32, #tpu.memory_space<hbm>>) dst(%arg8 : memref<72x64xf32, #tpu.memory_space<vmem>>)
      %broadcast_in_dim3A_38 = arith.constant 0 : i32
      %broadcast_in_dim3A_39 = vector.broadcast %broadcast_in_dim3A_38 : i32 to vector<16xi32>
      %get3A = arith.constant 0 : index
      %get3A_40 = tpu.vector_load %arg6[%get3A] {strides = array<i32>} : memref<208xi32, #tpu.memory_space<vmem>>, vector<16xi32>,
      %get3A_41 = vector.shape_cast %get3A_40 : vector<16xi32> to vector<16xi32>
      %eq3A = arith.constant 0 : i32
      %eq3A_42 = vector.broadcast %eq3A : i32 to vector<16xi32>
      %eq3A_43 = arith.cmpi eq, %get3A_41, %eq3A_42 : vector<16xi32>
      %jit3A = arith.constant 1 : i32
      %jit3A_44 = arith.constant 0 : i32
      %broadcast_in_dim3A_45 = vector.broadcast %jit3A : i32 to vector<16xi32>
      %broadcast_in_dim3A_46 = vector.broadcast %jit3A_44 : i32 to vector<16xi32>
      %select_n3A = arith.select %eq3A_43, %broadcast_in_dim3A_45, %broadcast_in_dim3A_46 : vector<16xi1>, vector<16xi32>
      %add3A_47 = arith.addi %broadcast_in_dim3A_39, %select_n3A : vector<16xi32>
      %get3A_48 = arith.constant 16 : index
      %get3A_49 = tpu.vector_load %arg6[%get3A_48] {strides = array<i32>} : memref<208xi32, #tpu.memory_space<vmem>>, vector<16xi32>,
      %get3A_50 = vector.shape_cast %get3A_49 : vector<16xi32> to vector<16xi32>
      %eq3A_51 = arith.constant 0 : i32
      %eq3A_52 = vector.broadcast %eq3A_51 : i32 to vector<16xi32>
      %eq3A_53 = arith.cmpi eq, %get3A_50, %eq3A_52 : vector<16xi32>
      %jit3A_54 = arith.constant 1 : i32
      %jit3A_55 = arith.constant 0 : i32
      %broadcast_in_dim3A_56 = vector.broadcast %jit3A_54 : i32 to vector<16xi32>
      %broadcast_in_dim3A_57 = vector.broadcast %jit3A_55 : i32 to vector<16xi32>
      %select_n3A_58 = arith.select %eq3A_53, %broadcast_in_dim3A_56, %broadcast_in_dim3A_57 : vector<16xi1>, vector<16xi32>
      %add3A_59 = arith.addi %add3A_47, %select_n3A_58 : vector<16xi32>
      %get3A_60 = arith.constant 32 : index
      %get3A_61 = tpu.vector_load %arg6[%get3A_60] {strides = array<i32>} : memref<208xi32, #tpu.memory_space<vmem>>, vector<16xi32>,
      %get3A_62 = vector.shape_cast %get3A_61 : vector<16xi32> to vector<16xi32>
      %eq3A_63 = arith.constant 0 : i32
      %eq3A_64 = vector.broadcast %eq3A_63 : i32 to vector<16xi32>
      %eq3A_65 = arith.cmpi eq, %get3A_62, %eq3A_64 : vector<16xi32>
      %jit3A_66 = arith.constant 1 : i32
      %jit3A_67 = arith.constant 0 : i32
      %broadcast_in_dim3A_68 = vector.broadcast %jit3A_66 : i32 to vector<16xi32>
      %broadcast_in_dim3A_69 = vector.broadcast %jit3A_67 : i32 to vector<16xi32>
      %select_n3A_70 = arith.select %eq3A_65, %broadcast_in_dim3A_68, %broadcast_in_dim3A_69 : vector<16xi1>, vector<16xi32>
      %add3A_71 = arith.addi %add3A_59, %select_n3A_70 : vector<16xi32>
      %get3A_72 = arith.constant 48 : index
      %get3A_73 = tpu.vector_load %arg6[%get3A_72] {strides = array<i32>} : memref<208xi32, #tpu.memory_space<vmem>>, vector<16xi32>,
      %get3A_74 = vector.shape_cast %get3A_73 : vector<16xi32> to vector<16xi32>
      %eq3A_75 = arith.constant 0 : i32
      %eq3A_76 = vector.broadcast %eq3A_75 : i32 to vector<16xi32>
      %eq3A_77 = arith.cmpi eq, %get3A_74, %eq3A_76 : vector<16xi32>
      %jit3A_78 = arith.constant 1 : i32
      %jit3A_79 = arith.constant 0 : i32
      %broadcast_in_dim3A_80 = vector.broadcast %jit3A_78 : i32 to vector<16xi32>
      %broadcast_in_dim3A_81 = vector.broadcast %jit3A_79 : i32 to vector<16xi32>
      %select_n3A_82 = arith.select %eq3A_77, %broadcast_in_dim3A_80, %broadcast_in_dim3A_81 : vector<16xi1>, vector<16xi32>
      %add3A_83 = arith.addi %add3A_71, %select_n3A_82 : vector<16xi32>
      %get3A_84 = arith.constant 64 : index
      %get3A_85 = tpu.vector_load %arg6[%get3A_84] {strides = array<i32>} : memref<208xi32, #tpu.memory_space<vmem>>, vector<16xi32>,
      %get3A_86 = vector.shape_cast %get3A_85 : vector<16xi32> to vector<16xi32>
      %eq3A_87 = arith.constant 0 : i32
      %eq3A_88 = vector.broadcast %eq3A_87 : i32 to vector<16xi32>
      %eq3A_89 = arith.cmpi eq, %get3A_86, %eq3A_88 : vector<16xi32>
      %jit3A_90 = arith.constant 1 : i32
      %jit3A_91 = arith.constant 0 : i32
      %broadcast_in_dim3A_92 = vector.broadcast %jit3A_90 : i32 to vector<16xi32>
      %broadcast_in_dim3A_93 = vector.broadcast %jit3A_91 : i32 to vector<16xi32>
      %select_n3A_94 = arith.select %eq3A_89, %broadcast_in_dim3A_92, %broadcast_in_dim3A_93 : vector<16xi1>, vector<16xi32>
      %add3A_95 = arith.addi %add3A_83, %select_n3A_94 : vector<16xi32>
      %get3A_96 = arith.constant 80 : index
      %get3A_97 = tpu.vector_load %arg6[%get3A_96] {strides = array<i32>} : memref<208xi32, #tpu.memory_space<vmem>>, vector<16xi32>,
      %get3A_98 = vector.shape_cast %get3A_97 : vector<16xi32> to vector<16xi32>
      %eq3A_99 = arith.constant 0 : i32
      %eq3A_100 = vector.broadcast %eq3A_99 : i32 to vector<16xi32>
      %eq3A_101 = arith.cmpi eq, %get3A_98, %eq3A_100 : vector<16xi32>
      %jit3A_102 = arith.constant 1 : i32
      %jit3A_103 = arith.constant 0 : i32
      %broadcast_in_dim3A_104 = vector.broadcast %jit3A_102 : i32 to vector<16xi32>
      %broadcast_in_dim3A_105 = vector.broadcast %jit3A_103 : i32 to vector<16xi32>
      %select_n3A_106 = arith.select %eq3A_101, %broadcast_in_dim3A_104, %broadcast_in_dim3A_105 : vector<16xi1>, vector<16xi32>
      %add3A_107 = arith.addi %add3A_95, %select_n3A_106 : vector<16xi32>
      %get3A_108 = arith.constant 96 : index
      %get3A_109 = tpu.vector_load %arg6[%get3A_108] {strides = array<i32>} : memref<208xi32, #tpu.memory_space<vmem>>, vector<16xi32>,
      %get3A_110 = vector.shape_cast %get3A_109 : vector<16xi32> to vector<16xi32>
      %eq3A_111 = arith.constant 0 : i32
      %eq3A_112 = vector.broadcast %eq3A_111 : i32 to vector<16xi32>
      %eq3A_113 = arith.cmpi eq, %get3A_110, %eq3A_112 : vector<16xi32>
      %jit3A_114 = arith.constant 1 : i32
      %jit3A_115 = arith.constant 0 : i32
      %broadcast_in_dim3A_116 = vector.broadcast %jit3A_114 : i32 to vector<16xi32>
      %broadcast_in_dim3A_117 = vector.broadcast %jit3A_115 : i32 to vector<16xi32>
      %select_n3A_118 = arith.select %eq3A_113, %broadcast_in_dim3A_116, %broadcast_in_dim3A_117 : vector<16xi1>, vector<16xi32>
      %add3A_119 = arith.addi %add3A_107, %select_n3A_118 : vector<16xi32>
      %get3A_120 = arith.constant 112 : index
      %get3A_121 = tpu.vector_load %arg6[%get3A_120] {strides = array<i32>} : memref<208xi32, #tpu.memory_space<vmem>>, vector<16xi32>,
      %get3A_122 = vector.shape_cast %get3A_121 : vector<16xi32> to vector<16xi32>
      %eq3A_123 = arith.constant 0 : i32
      %eq3A_124 = vector.broadcast %eq3A_123 : i32 to vector<16xi32>
      %eq3A_125 = arith.cmpi eq, %get3A_122, %eq3A_124 : vector<16xi32>
      %jit3A_126 = arith.constant 1 : i32
      %jit3A_127 = arith.constant 0 : i32
      %broadcast_in_dim3A_128 = vector.broadcast %jit3A_126 : i32 to vector<16xi32>
      %broadcast_in_dim3A_129 = vector.broadcast %jit3A_127 : i32 to vector<16xi32>
      %select_n3A_130 = arith.select %eq3A_125, %broadcast_in_dim3A_128, %broadcast_in_dim3A_129 : vector<16xi1>, vector<16xi32>
      %add3A_131 = arith.addi %add3A_119, %select_n3A_130 : vector<16xi32>
      %get3A_132 = arith.constant 128 : index
      %get3A_133 = tpu.vector_load %arg6[%get3A_132] {strides = array<i32>} : memref<208xi32, #tpu.memory_space<vmem>>, vector<16xi32>,
      %get3A_134 = vector.shape_cast %get3A_133 : vector<16xi32> to vector<16xi32>
      %eq3A_135 = arith.constant 0 : i32
      %eq3A_136 = vector.broadcast %eq3A_135 : i32 to vector<16xi32>
      %eq3A_137 = arith.cmpi eq, %get3A_134, %eq3A_136 : vector<16xi32>
      %jit3A_138 = arith.constant 1 : i32
      %jit3A_139 = arith.constant 0 : i32
      %broadcast_in_dim3A_140 = vector.broadcast %jit3A_138 : i32 to vector<16xi32>
      %broadcast_in_dim3A_141 = vector.broadcast %jit3A_139 : i32 to vector<16xi32>
      %select_n3A_142 = arith.select %eq3A_137, %broadcast_in_dim3A_140, %broadcast_in_dim3A_141 : vector<16xi1>, vector<16xi32>
      %add3A_143 = arith.addi %add3A_131, %select_n3A_142 : vector<16xi32>
      %get3A_144 = arith.constant 144 : index
      %get3A_145 = tpu.vector_load %arg6[%get3A_144] {strides = array<i32>} : memref<208xi32, #tpu.memory_space<vmem>>, vector<16xi32>,
      %get3A_146 = vector.shape_cast %get3A_145 : vector<16xi32> to vector<16xi32>
      %eq3A_147 = arith.constant 0 : i32
      %eq3A_148 = vector.broadcast %eq3A_147 : i32 to vector<16xi32>
      %eq3A_149 = arith.cmpi eq, %get3A_146, %eq3A_148 : vector<16xi32>
      %jit3A_150 = arith.constant 1 : i32
      %jit3A_151 = arith.constant 0 : i32
      %broadcast_in_dim3A_152 = vector.broadcast %jit3A_150 : i32 to vector<16xi32>
      %broadcast_in_dim3A_153 = vector.broadcast %jit3A_151 : i32 to vector<16xi32>
      %select_n3A_154 = arith.select %eq3A_149, %broadcast_in_dim3A_152, %broadcast_in_dim3A_153 : vector<16xi1>, vector<16xi32>
      %add3A_155 = arith.addi %add3A_143, %select_n3A_154 : vector<16xi32>
      %get3A_156 = arith.constant 160 : index
      %get3A_157 = tpu.vector_load %arg6[%get3A_156] {strides = array<i32>} : memref<208xi32, #tpu.memory_space<vmem>>, vector<16xi32>,
      %get3A_158 = vector.shape_cast %get3A_157 : vector<16xi32> to vector<16xi32>
      %eq3A_159 = arith.constant 0 : i32
      %eq3A_160 = vector.broadcast %eq3A_159 : i32 to vector<16xi32>
      %eq3A_161 = arith.cmpi eq, %get3A_158, %eq3A_160 : vector<16xi32>
      %jit3A_162 = arith.constant 1 : i32
      %jit3A_163 = arith.constant 0 : i32
      %broadcast_in_dim3A_164 = vector.broadcast %jit3A_162 : i32 to vector<16xi32>
      %broadcast_in_dim3A_165 = vector.broadcast %jit3A_163 : i32 to vector<16xi32>
      %select_n3A_166 = arith.select %eq3A_161, %broadcast_in_dim3A_164, %broadcast_in_dim3A_165 : vector<16xi1>, vector<16xi32>
      %add3A_167 = arith.addi %add3A_155, %select_n3A_166 : vector<16xi32>
      %get3A_168 = arith.constant 176 : index
      %get3A_169 = tpu.vector_load %arg6[%get3A_168] {strides = array<i32>} : memref<208xi32, #tpu.memory_space<vmem>>, vector<16xi32>,
      %get3A_170 = vector.shape_cast %get3A_169 : vector<16xi32> to vector<16xi32>
      %eq3A_171 = arith.constant 0 : i32
      %eq3A_172 = vector.broadcast %eq3A_171 : i32 to vector<16xi32>
      %eq3A_173 = arith.cmpi eq, %get3A_170, %eq3A_172 : vector<16xi32>
      %jit3A_174 = arith.constant 1 : i32
      %jit3A_175 = arith.constant 0 : i32
      %broadcast_in_dim3A_176 = vector.broadcast %jit3A_174 : i32 to vector<16xi32>
      %broadcast_in_dim3A_177 = vector.broadcast %jit3A_175 : i32 to vector<16xi32>
      %select_n3A_178 = arith.select %eq3A_173, %broadcast_in_dim3A_176, %broadcast_in_dim3A_177 : vector<16xi1>, vector<16xi32>
      %add3A_179 = arith.addi %add3A_167, %select_n3A_178 : vector<16xi32>
      %get3A_180 = arith.constant 192 : index
      %get3A_181 = tpu.vector_load %arg6[%get3A_180] {strides = array<i32>} : memref<208xi32, #tpu.memory_space<vmem>>, vector<16xi32>,
      %get3A_182 = vector.shape_cast %get3A_181 : vector<16xi32> to vector<16xi32>
      %eq3A_183 = arith.constant 0 : i32
      %eq3A_184 = vector.broadcast %eq3A_183 : i32 to vector<16xi32>
      %eq3A_185 = arith.cmpi eq, %get3A_182, %eq3A_184 : vector<16xi32>
      %jit3A_186 = arith.constant 1 : i32
      %jit3A_187 = arith.constant 0 : i32
      %broadcast_in_dim3A_188 = vector.broadcast %jit3A_186 : i32 to vector<16xi32>
      %broadcast_in_dim3A_189 = vector.broadcast %jit3A_187 : i32 to vector<16xi32>
      %select_n3A_190 = arith.select %eq3A_185, %broadcast_in_dim3A_188, %broadcast_in_dim3A_189 : vector<16xi1>, vector<16xi32>
      %add3A_191 = arith.addi %add3A_179, %select_n3A_190 : vector<16xi32>
      %slice3A = vector.extract_strided_slice %add3A_191 {offsets = [0], sizes = [1], strides = [1]} : vector<16xi32> to vector<1xi32>
      %squeeze3A = vector.extract %slice3A[0] : i32 from vector<1xi32>
      %slice3A_192 = vector.extract_strided_slice %add3A_191 {offsets = [1], sizes = [1], strides = [1]} : vector<16xi32> to vector<1xi32>
      %squeeze3A_193 = vector.extract %slice3A_192[0] : i32 from vector<1xi32>
      %add3A_194 = arith.addi %squeeze3A, %squeeze3A_193 : i32
      %slice3A_195 = vector.extract_strided_slice %add3A_191 {offsets = [2], sizes = [1], strides = [1]} : vector<16xi32> to vector<1xi32>
      %squeeze3A_196 = vector.extract %slice3A_195[0] : i32 from vector<1xi32>
      %add3A_197 = arith.addi %add3A_194, %squeeze3A_196 : i32
      %slice3A_198 = vector.extract_strided_slice %add3A_191 {offsets = [3], sizes = [1], strides = [1]} : vector<16xi32> to vector<1xi32>
      %squeeze3A_199 = vector.extract %slice3A_198[0] : i32 from vector<1xi32>
      %add3A_200 = arith.addi %add3A_197, %squeeze3A_199 : i32
      %slice3A_201 = vector.extract_strided_slice %add3A_191 {offsets = [4], sizes = [1], strides = [1]} : vector<16xi32> to vector<1xi32>
      %squeeze3A_202 = vector.extract %slice3A_201[0] : i32 from vector<1xi32>
      %add3A_203 = arith.addi %add3A_200, %squeeze3A_202 : i32
      %slice3A_204 = vector.extract_strided_slice %add3A_191 {offsets = [5], sizes = [1], strides = [1]} : vector<16xi32> to vector<1xi32>
      %squeeze3A_205 = vector.extract %slice3A_204[0] : i32 from vector<1xi32>
      %add3A_206 = arith.addi %add3A_203, %squeeze3A_205 : i32
      %slice3A_207 = vector.extract_strided_slice %add3A_191 {offsets = [6], sizes = [1], strides = [1]} : vector<16xi32> to vector<1xi32>
      %squeeze3A_208 = vector.extract %slice3A_207[0] : i32 from vector<1xi32>
      %add3A_209 = arith.addi %add3A_206, %squeeze3A_208 : i32
      %slice3A_210 = vector.extract_strided_slice %add3A_191 {offsets = [7], sizes = [1], strides = [1]} : vector<16xi32> to vector<1xi32>
      %squeeze3A_211 = vector.extract %slice3A_210[0] : i32 from vector<1xi32>
      %add3A_212 = arith.addi %add3A_209, %squeeze3A_211 : i32
      %slice3A_213 = vector.extract_strided_slice %add3A_191 {offsets = [8], sizes = [1], strides = [1]} : vector<16xi32> to vector<1xi32>
      %squeeze3A_214 = vector.extract %slice3A_213[0] : i32 from vector<1xi32>
      %add3A_215 = arith.addi %add3A_212, %squeeze3A_214 : i32
      %slice3A_216 = vector.extract_strided_slice %add3A_191 {offsets = [9], sizes = [1], strides = [1]} : vector<16xi32> to vector<1xi32>
      %squeeze3A_217 = vector.extract %slice3A_216[0] : i32 from vector<1xi32>
      %add3A_218 = arith.addi %add3A_215, %squeeze3A_217 : i32
      %slice3A_219 = vector.extract_strided_slice %add3A_191 {offsets = [10], sizes = [1], strides = [1]} : vector<16xi32> to vector<1xi32>
      %squeeze3A_220 = vector.extract %slice3A_219[0] : i32 from vector<1xi32>
      %add3A_221 = arith.addi %add3A_218, %squeeze3A_220 : i32
      %slice3A_222 = vector.extract_strided_slice %add3A_191 {offsets = [11], sizes = [1], strides = [1]} : vector<16xi32> to vector<1xi32>
      %squeeze3A_223 = vector.extract %slice3A_222[0] : i32 from vector<1xi32>
      %add3A_224 = arith.addi %add3A_221, %squeeze3A_223 : i32
      %slice3A_225 = vector.extract_strided_slice %add3A_191 {offsets = [12], sizes = [1], strides = [1]} : vector<16xi32> to vector<1xi32>
      %squeeze3A_226 = vector.extract %slice3A_225[0] : i32 from vector<1xi32>
      %add3A_227 = arith.addi %add3A_224, %squeeze3A_226 : i32
      %slice3A_228 = vector.extract_strided_slice %add3A_191 {offsets = [13], sizes = [1], strides = [1]} : vector<16xi32> to vector<1xi32>
      %squeeze3A_229 = vector.extract %slice3A_228[0] : i32 from vector<1xi32>
      %add3A_230 = arith.addi %add3A_227, %squeeze3A_229 : i32
      %slice3A_231 = vector.extract_strided_slice %add3A_191 {offsets = [14], sizes = [1], strides = [1]} : vector<16xi32> to vector<1xi32>
      %squeeze3A_232 = vector.extract %slice3A_231[0] : i32 from vector<1xi32>
      %add3A_233 = arith.addi %add3A_230, %squeeze3A_232 : i32
      %slice3A_234 = vector.extract_strided_slice %add3A_191 {offsets = [15], sizes = [1], strides = [1]} : vector<16xi32> to vector<1xi32>
      %squeeze3A_235 = vector.extract %slice3A_234[0] : i32 from vector<1xi32>
      %add3A_236 = arith.addi %add3A_233, %squeeze3A_235 : i32
      %scan3A_237 = arith.constant 0 : i32
      %scan3A_238 = arith.constant 128 : i32
      %scan3A_239 = arith.addi %scan3A_237, %scan3A_238 : i32
      %scan3A_240 = arith.constant 1 : i32
      %scan3A_241:4 = scf.for %scan3A_313 = %scan3A_237 to %scan3A_239 step %scan3A_240 iter_args(%scan3A_314 = %broadcast_in_dim3A_8, %scan3A_315 = %broadcast_in_dim3A_8, %scan3A_316 = %broadcast_in_dim3A_8, %scan3A_317 = %broadcast_in_dim3A_8) -> (vector<16xf32>, vector<16xf32>, vector<16xf32>, vector<16xf32>)  : i32 {
        %get3A_318 = arith.index_cast %scan3A_313 : i32 to index
        %get3A_319 = arith.constant 0 : index
        %get3A_320 = tpu.vector_load %arg7[%get3A_318, %get3A_319] {strides = array<i32>} : memref<128x64xf32, #tpu.memory_space<vmem>>, vector<1x16xf32>,
        %get3A_321 = vector.shape_cast %get3A_320 : vector<1x16xf32> to vector<16xf32>
        %add3A_322 = arith.addf %scan3A_314, %get3A_321 : vector<16xf32>
        %get3A_323 = arith.index_cast %scan3A_313 : i32 to index
        %get3A_324 = arith.constant 16 : index
        %get3A_325 = tpu.vector_load %arg7[%get3A_323, %get3A_324] {strides = array<i32>} : memref<128x64xf32, #tpu.memory_space<vmem>>, vector<1x16xf32>,
        %get3A_326 = vector.shape_cast %get3A_325 : vector<1x16xf32> to vector<16xf32>
        %add3A_327 = arith.addf %scan3A_315, %get3A_326 : vector<16xf32>
        %get3A_328 = arith.index_cast %scan3A_313 : i32 to index
        %get3A_329 = arith.constant 32 : index
        %get3A_330 = tpu.vector_load %arg7[%get3A_328, %get3A_329] {strides = array<i32>} : memref<128x64xf32, #tpu.memory_space<vmem>>, vector<1x16xf32>,
        %get3A_331 = vector.shape_cast %get3A_330 : vector<1x16xf32> to vector<16xf32>
        %add3A_332 = arith.addf %scan3A_316, %get3A_331 : vector<16xf32>
        %get3A_333 = arith.index_cast %scan3A_313 : i32 to index
        %get3A_334 = arith.constant 48 : index
        %get3A_335 = tpu.vector_load %arg7[%get3A_333, %get3A_334] {strides = array<i32>} : memref<128x64xf32, #tpu.memory_space<vmem>>, vector<1x16xf32>,
        %get3A_336 = vector.shape_cast %get3A_335 : vector<1x16xf32> to vector<16xf32>
        %add3A_337 = arith.addf %scan3A_317, %get3A_336 : vector<16xf32>
        scf.yield %add3A_322, %add3A_327, %add3A_332, %add3A_337 : vector<16xf32>, vector<16xf32>, vector<16xf32>, vector<16xf32>
      }
      %scan3A_242 = arith.constant 128 : i32
      %scan3A_243 = arith.constant 0 : i32
      %scan3A_244 = arith.constant 72 : i32
      %scan3A_245 = arith.addi %scan3A_243, %scan3A_244 : i32
      %scan3A_246 = arith.constant 1 : i32
      %scan3A_247:4 = scf.for %scan3A_313 = %scan3A_243 to %scan3A_245 step %scan3A_246 iter_args(%scan3A_314 = %scan3A_241#0, %scan3A_315 = %scan3A_241#1, %scan3A_316 = %scan3A_241#2, %scan3A_317 = %scan3A_241#3) -> (vector<16xf32>, vector<16xf32>, vector<16xf32>, vector<16xf32>)  : i32 {
        %get3A_318 = arith.index_cast %scan3A_313 : i32 to index
        %get3A_319 = arith.constant 0 : index
        %get3A_320 = tpu.vector_load %arg8[%get3A_318, %get3A_319] {strides = array<i32>} : memref<72x64xf32, #tpu.memory_space<vmem>>, vector<1x16xf32>,
        %get3A_321 = vector.shape_cast %get3A_320 : vector<1x16xf32> to vector<16xf32>
        %add3A_322 = arith.addf %scan3A_314, %get3A_321 : vector<16xf32>
        %get3A_323 = arith.index_cast %scan3A_313 : i32 to index
        %get3A_324 = arith.constant 16 : index
        %get3A_325 = tpu.vector_load %arg8[%get3A_323, %get3A_324] {strides = array<i32>} : memref<72x64xf32, #tpu.memory_space<vmem>>, vector<1x16xf32>,
        %get3A_326 = vector.shape_cast %get3A_325 : vector<1x16xf32> to vector<16xf32>
        %add3A_327 = arith.addf %scan3A_315, %get3A_326 : vector<16xf32>
        %get3A_328 = arith.index_cast %scan3A_313 : i32 to index
        %get3A_329 = arith.constant 32 : index
        %get3A_330 = tpu.vector_load %arg8[%get3A_328, %get3A_329] {strides = array<i32>} : memref<72x64xf32, #tpu.memory_space<vmem>>, vector<1x16xf32>,
        %get3A_331 = vector.shape_cast %get3A_330 : vector<1x16xf32> to vector<16xf32>
        %add3A_332 = arith.addf %scan3A_316, %get3A_331 : vector<16xf32>
        %get3A_333 = arith.index_cast %scan3A_313 : i32 to index
        %get3A_334 = arith.constant 48 : index
        %get3A_335 = tpu.vector_load %arg8[%get3A_333, %get3A_334] {strides = array<i32>} : memref<72x64xf32, #tpu.memory_space<vmem>>, vector<1x16xf32>,
        %get3A_336 = vector.shape_cast %get3A_335 : vector<1x16xf32> to vector<16xf32>
        %add3A_337 = arith.addf %scan3A_317, %get3A_336 : vector<16xf32>
        scf.yield %add3A_322, %add3A_327, %add3A_332, %add3A_337 : vector<16xf32>, vector<16xf32>, vector<16xf32>, vector<16xf32>
      }
      %scan3A_248 = arith.constant 72 : i32
      %convert_element_type3A = arith.sitofp %add3A_236 : i32 to f32
      %broadcast_in_dim3A_249 = vector.broadcast %convert_element_type3A : f32 to vector<16xf32>
      %sub3A = arith.constant 2.000000e+02 : f32
      %sub3A_250 = vector.broadcast %sub3A : f32 to vector<16xf32>
      %sub3A_251 = arith.subf %sub3A_250, %broadcast_in_dim3A_249 : vector<16xf32>
      %add3A_252 = arith.constant 9.99999993E-9 : f32
      %add3A_253 = vector.broadcast %add3A_252 : f32 to vector<16xf32>
      %add3A_254 = arith.addf %sub3A_251, %add3A_253 : vector<16xf32>
      %div3A = arith.constant 1.000000e+00 : f32
      %div3A_255 = vector.broadcast %div3A : f32 to vector<16xf32>
      %div3A_256 = arith.divf %div3A_255, %add3A_254 : vector<16xf32>
      %get3A_257 = arith.constant 0 : index
      %get3A_258 = tpu.vector_load %arg9[%get3A_257] {strides = array<i32>} : memref<64xf32, #tpu.memory_space<vmem>>, vector<16xf32>,
      %get3A_259 = vector.shape_cast %get3A_258 : vector<16xf32> to vector<16xf32>
      %mul3A_260 = arith.mulf %broadcast_in_dim3A_249, %get3A_259 : vector<16xf32>
      %sub3A_261 = arith.subf %scan3A_247#0, %mul3A_260 : vector<16xf32>
      %mul3A_262 = arith.mulf %sub3A_261, %div3A_256 : vector<16xf32>
      %mul3A_263 = arith.constant 64 : i32
      %mul3A_264 = arith.muli %scan3A_16, %mul3A_263 : i32
      %add3A_265 = arith.constant 0 : i32
      %add3A_266 = arith.addi %mul3A_264, %add3A_265 : i32
      %swap3A_267 = arith.index_cast %add3A_266 : i32 to index
      %swap3A_268 = tpu.vector_load %arg10[%swap3A_267] {strides = array<i32>} : memref<8192xf32, #tpu.memory_space<vmem>>, vector<16xf32>,
      %swap3A_269 = vector.shape_cast %swap3A_268 : vector<16xf32> to vector<16xf32>
      %swap3A_270 = vector.shape_cast %mul3A_262 : vector<16xf32> to vector<16xf32>
      tpu.vector_store %arg10[%swap3A_267], %swap3A_270 {strides = array<i32>} : memref<8192xf32, #tpu.memory_space<vmem>>, vector<16xf32>,
      %get3A_271 = arith.constant 16 : index
      %get3A_272 = tpu.vector_load %arg9[%get3A_271] {strides = array<i32>} : memref<64xf32, #tpu.memory_space<vmem>>, vector<16xf32>,
      %get3A_273 = vector.shape_cast %get3A_272 : vector<16xf32> to vector<16xf32>
      %mul3A_274 = arith.mulf %broadcast_in_dim3A_249, %get3A_273 : vector<16xf32>
      %sub3A_275 = arith.subf %scan3A_247#1, %mul3A_274 : vector<16xf32>
      %mul3A_276 = arith.mulf %sub3A_275, %div3A_256 : vector<16xf32>
      %mul3A_277 = arith.constant 64 : i32
      %mul3A_278 = arith.muli %scan3A_16, %mul3A_277 : i32
      %add3A_279 = arith.constant 16 : i32
      %add3A_280 = arith.addi %mul3A_278, %add3A_279 : i32
      %swap3A_281 = arith.index_cast %add3A_280 : i32 to index
      %swap3A_282 = tpu.vector_load %arg10[%swap3A_281] {strides = array<i32>} : memref<8192xf32, #tpu.memory_space<vmem>>, vector<16xf32>,
      %swap3A_283 = vector.shape_cast %swap3A_282 : vector<16xf32> to vector<16xf32>
      %swap3A_284 = vector.shape_cast %mul3A_276 : vector<16xf32> to vector<16xf32>
      tpu.vector_store %arg10[%swap3A_281], %swap3A_284 {strides = array<i32>} : memref<8192xf32, #tpu.memory_space<vmem>>, vector<16xf32>,
      %get3A_285 = arith.constant 32 : index
      %get3A_286 = tpu.vector_load %arg9[%get3A_285] {strides = array<i32>} : memref<64xf32, #tpu.memory_space<vmem>>, vector<16xf32>,
      %get3A_287 = vector.shape_cast %get3A_286 : vector<16xf32> to vector<16xf32>
      %mul3A_288 = arith.mulf %broadcast_in_dim3A_249, %get3A_287 : vector<16xf32>
      %sub3A_289 = arith.subf %scan3A_247#2, %mul3A_288 : vector<16xf32>
      %mul3A_290 = arith.mulf %sub3A_289, %div3A_256 : vector<16xf32>
      %mul3A_291 = arith.constant 64 : i32
      %mul3A_292 = arith.muli %scan3A_16, %mul3A_291 : i32
      %add3A_293 = arith.constant 32 : i32
      %add3A_294 = arith.addi %mul3A_292, %add3A_293 : i32
      %swap3A_295 = arith.index_cast %add3A_294 : i32 to index
      %swap3A_296 = tpu.vector_load %arg10[%swap3A_295] {strides = array<i32>} : memref<8192xf32, #tpu.memory_space<vmem>>, vector<16xf32>,
      %swap3A_297 = vector.shape_cast %swap3A_296 : vector<16xf32> to vector<16xf32>
      %swap3A_298 = vector.shape_cast %mul3A_290 : vector<16xf32> to vector<16xf32>
      tpu.vector_store %arg10[%swap3A_295], %swap3A_298 {strides = array<i32>} : memref<8192xf32, #tpu.memory_space<vmem>>, vector<16xf32>,
      %get3A_299 = arith.constant 48 : index
      %get3A_300 = tpu.vector_load %arg9[%get3A_299] {strides = array<i32>} : memref<64xf32, #tpu.memory_space<vmem>>, vector<16xf32>,
      %get3A_301 = vector.shape_cast %get3A_300 : vector<16xf32> to vector<16xf32>
      %mul3A_302 = arith.mulf %broadcast_in_dim3A_249, %get3A_301 : vector<16xf32>
      %sub3A_303 = arith.subf %scan3A_247#3, %mul3A_302 : vector<16xf32>
      %mul3A_304 = arith.mulf %sub3A_303, %div3A_256 : vector<16xf32>
      %mul3A_305 = arith.constant 64 : i32
      %mul3A_306 = arith.muli %scan3A_16, %mul3A_305 : i32
      %add3A_307 = arith.constant 48 : i32
      %add3A_308 = arith.addi %mul3A_306, %add3A_307 : i32
      %swap3A_309 = arith.index_cast %add3A_308 : i32 to index
      %swap3A_310 = tpu.vector_load %arg10[%swap3A_309] {strides = array<i32>} : memref<8192xf32, #tpu.memory_space<vmem>>, vector<16xf32>,
      %swap3A_311 = vector.shape_cast %swap3A_310 : vector<16xf32> to vector<16xf32>
      %swap3A_312 = vector.shape_cast %mul3A_304 : vector<16xf32> to vector<16xf32>
      tpu.vector_store %arg10[%swap3A_309], %swap3A_312 {strides = array<i32>} : memref<8192xf32, #tpu.memory_space<vmem>>, vector<16xf32>,
    }
    %scan3A_13 = arith.constant 128 : i32
    %mul3A_14 = arith.constant 64 : i32
    %mul3A_15 = arith.muli %mul3A_2, %mul3A_14 : i32
    "tpu.region"() ({
      %run_scoped3A = tpu.sem_alloc : memref<!tpu.dma_semaphore, #tpu.memory_space<semaphore_mem>>
      %dma_start3A = tpu.memref_slice %arg5[%mul3A_15] : memref<262144xf32, #tpu.memory_space<hbm>> -> memref<8192xf32, #tpu.memory_space<hbm>>
      %dma_start3A_16 = tpu.memref_slice %arg5[%mul3A_15] : memref<262144xf32, #tpu.memory_space<hbm>> -> memref<8192xf32, #tpu.memory_space<hbm>>
      tpu.enqueue_dma source(%arg10 : memref<8192xf32, #tpu.memory_space<vmem>>) target(%dma_start3A_16 : memref<8192xf32, #tpu.memory_space<hbm>>) target_semaphore(%run_scoped3A : memref<!tpu.dma_semaphore, #tpu.memory_space<semaphore_mem>>)
      %dma_wait3A = tpu.memref_slice %arg5[%mul3A_15] : memref<262144xf32, #tpu.memory_space<hbm>> -> memref<8192xf32, #tpu.memory_space<hbm>>
      %dma_wait3A_17 = tpu.memref_slice %arg5[%mul3A_15] : memref<262144xf32, #tpu.memory_space<hbm>> -> memref<8192xf32, #tpu.memory_space<hbm>>
      tpu.wait_dma2 semaphore(%run_scoped3A : memref<!tpu.dma_semaphore, #tpu.memory_space<semaphore_mem>>) src(%arg10 : memref<8192xf32, #tpu.memory_space<vmem>>) dst(%dma_wait3A_17 : memref<8192xf32, #tpu.memory_space<hbm>>)
      tpu.yield
    }) : () -> ()
    return
  }
}

</mosaic_0001>

<sc_bundles>
// kernel: _pool.3.cloned.1.call-start
scs
__scs_entry_jumppad:
0x0: {  	(pc) =	sbr.rel $0x88, $3  }
0x1: {  	(tag) =	ssettag $0x0;
	lr =	simm.s32 $0x1  }
0x2: {  	[smem:$0x3F9E] =	sst lr;
	_ =	strace $0xD0000000  }
0x3: {  	_ = 	snop  }
0x4: {  	_ = 	snop  }
0x5: {  	_ = 	snop  }
0x6: {  	_ = 	snop  }
0x7: {  	_ = 	snop  }
__scs_overlays_trampoline_lowered:
0x8: {  	[smem:$0x3FAD] =	sst s0  }
0x9: {  	[smem:$0x3FAE] =	sst s1  }
0xa: {  	[smem:$0x3FAF] =	sst s2  }
0xb: {  	[smem:$0x3FB0] =	sst s3  }
0xc: {  	[smem:$0x3FB1] =	sst s4  }
0xd: {  	[smem:$0x3FB2] =	sst s5  }
0xe: {  	[smem:$0x3FB3] =	sst s6  }
0xf: {  	[smem:$0x3FB4] =	sst s7  }
0x10: {  	[smem:$0x3FB5] =	sst s8  }
0x11: {  	[smem:$0x3FB6] =	sst s9;
	s0 =	simm.s32 @!p0 $0x0  }
0x12: {  	s1 =	sld [smem:$0x3F9C];
	s0 =	simm.s32 @p0 $0x1  }
0x13: {  	[smem:$0x3FB7] =	sst s0;
	s0 =	simm.s32 @!p1 $0x0  }
0x14: {  	s2 =	sld [smem:$0x3F9B];
	s0 =	simm.s32 @p1 $0x1  }
0x15: {  	[smem:$0x3FB8] =	sst s0;
	s0 =	simm.s32 @!p2 $0x0  }
0x16: {  	s3 =	sld [smem:$0x3FDB];
	s0 =	simm.s32 @p2 $0x1  }
0x17: {  	s4 =	simm.s32 $0x1BF5;
	[smem:$0x3FBA] =	sst s0  }
0x18: {  	s0 =	sld [smem:$0x3F9D];
	_ =	swait.ge [sflag:s4], $0x0  }
0x19: {  	s7 =	sld [smem:$0x3F9E]  }
0x1a: {  	s8 =	sadd.s32 $0xFFFFE003, lr  }
0x1b: {  	s9 =	sadd.s32 $0xFFFFFEF7, lr;
	s5 =	simm.s32 $0xFFFFFFFF;
	p2 =	slt.u32 s8, $0xFFFFF086  }
0x1c: {  	p1 =	slt.u32 s9, $0xF7A;
	s5 =	simm.s32 @!p2 $0x0  }
0x1d: {  	s5 =	simm.s32 @p1 $0x1;
	p0 =	seq.s32 s7, s2  }
0x1e: {  	s7 =	smul.u32 @!p0 $0xF7A, s2;
	p2 =	seq.s32 @!p0 s5, $0x0  }
0x1f: {  	s9 =	smul.u32 $0xF7A, s1;
	s8 =	simm.s32 @!p0 $0x1BF5;
	p2 =	por !p2, p0  }
0x20: {  	[sflag:s8] =	ssyncset.s32 @!p0 $0xFFFFF086;
	s6 =	sadd.s32 @!p0 s3, s7;
	s7 =	simm.s32 @!p0 $0x108  }
0x21: {  	s3 =	sadd.s32 s3, s9;
	s6 =	sadd.s32 @!p0 $0x88, s6;
	s7 =	simm.s32 @p2 $0x1082  }
0x22: {  	[simem:s7], [sflag:s8] =	dma.local @!p0 [hbm:s6], $0xF7A  }
0x23: {  	s9 =	sor.u32 $0xD0000000, s2;
	s6 =	simm.s32 $0x108;
	_ =	swait.ge @!p0 [sflag:s8], $0x0  }
0x24: {  	s3 =	sadd.s32 $0x88, s3;
	s6 =	simm.s32 @!p1 $0x1082;
	[sflag:s4] =	ssyncset.s32 $0xFFFFF086  }
0x25: {  	[simem:s6], [sflag:s4] =	dma.local [hbm:s3], $0xF7A  }
0x26: {  	[smem:$0x3F9E] =	sst s1;
	(tag) =	ssettag s2;
	_ =	strace s9  }
0x27: {  	s1 =	sld [smem:$0x3FAE]  }
0x28: {  	s2 =	sld [smem:$0x3FAF]  }
0x29: {  	s4 =	sld [smem:$0x3FB1]  }
0x2a: {  	p0 =	seq.s32 s5, $0x0;
	s5 =	sld [smem:$0x3FB2]  }
0x2b: {  	s6 =	sld [smem:$0x3FB3]  }
0x2c: {  	s7 =	sld [smem:$0x3FB4]  }
0x2d: {  	s3 =	simm.s32 $0x108;
	s8 =	sld [smem:$0x3FB5]  }
0x2e: {  	s3 =	simm.s32 @!p0 $0x1082;
	s9 =	sld [smem:$0x3FB6]  }
0x2f: {  	lr =	sadd.s32 s0, s3;
	s0 =	sld [smem:$0x3FAD]  }
0x30: {  	s3 =	sld [smem:$0x3FB0]  }
0x31: {  	[smem:$0x3FB9] =	sst s10  }
0x32: {  	s10 =	sld [smem:$0x3FB7];
	_ =	sdelay $0x3  }
0x33: {  	p0 =	seq.s32 s10, $0x1;
	s10 =	sld [smem:$0x3FB9];
	_ =	sdelay $0x3  }
0x34: {  	[smem:$0x3FB9] =	sst s10  }
0x35: {  	s10 =	sld [smem:$0x3FB8];
	_ =	sdelay $0x3  }
0x36: {  	p1 =	seq.s32 s10, $0x1;
	s10 =	sld [smem:$0x3FB9];
	_ =	sdelay $0x3  }
0x37: {  	[smem:$0x3FB9] =	sst s10  }
0x38: {  	s10 =	sld [smem:$0x3FBA]  }
0x39: {  	_ = 	snop;
	(pc) =	sbr.ind lr, $3  }
0x3a: {  	_ = 	snop  }
0x3b: {  	_ = 	snop  }
0x3c: {  	p2 =	seq.s32 s10, $0x1;
	s10 =	sld [smem:$0x3FB9]  }
0x3d: {  	_ =	shalt  }
0x3e: {  	_ =	shalt  }
0x3f: {  	_ =	shalt  }
0x40: {  	_ =	shalt  }
0x41: {  	_ =	shalt  }
0x42: {  	_ =	shalt  }
0x43: {  	_ =	shalt  }
0x44: {  	_ =	shalt  }
0x45: {  	_ =	shalt  }
0x46: {  	_ =	shalt  }
0x47: {  	_ =	shalt  }
0x48: {  	_ =	shalt  }
0x49: {  	_ =	shalt  }
0x4a: {  	_ =	shalt  }
0x4b: {  	_ =	shalt  }
0x4c: {  	_ =	shalt  }
0x4d: {  	_ =	shalt  }
0x4e: {  	_ =	shalt  }
0x4f: {  	_ =	shalt  }
0x50: {  	_ =	shalt  }
0x51: {  	_ =	shalt  }
0x52: {  	_ =	shalt  }
0x53: {  	_ =	shalt  }
0x54: {  	_ =	shalt  }
0x55: {  	_ =	shalt  }
0x56: {  	_ =	shalt  }
0x57: {  	_ =	shalt  }
0x58: {  	_ =	shalt  }
0x59: {  	_ =	shalt  }
0x5a: {  	_ =	shalt  }
0x5b: {  	_ =	shalt  }
0x5c: {  	_ =	shalt  }
0x5d: {  	_ =	shalt  }
0x5e: {  	_ =	shalt  }
0x5f: {  	_ =	shalt  }
0x60: {  	_ =	shalt  }
0x61: {  	_ =	shalt  }
0x62: {  	_ =	shalt  }
0x63: {  	_ =	shalt  }
0x64: {  	_ =	shalt  }
0x65: {  	_ =	shalt  }
0x66: {  	_ =	shalt  }
0x67: {  	_ =	shalt  }
0x68: {  	_ =	shalt  }
0x69: {  	_ =	shalt  }
0x6a: {  	_ =	shalt  }
0x6b: {  	_ =	shalt  }
0x6c: {  	_ =	shalt  }
0x6d: {  	_ =	shalt  }
0x6e: {  	_ =	shalt  }
0x6f: {  	_ =	shalt  }
0x70: {  	_ =	shalt  }
0x71: {  	_ =	shalt  }
0x72: {  	_ =	shalt  }
0x73: {  	_ =	shalt  }
0x74: {  	_ =	shalt  }
0x75: {  	_ =	shalt  }
0x76: {  	_ =	shalt  }
0x77: {  	_ =	shalt  }
0x78: {  	_ =	shalt  }
0x79: {  	_ =	shalt  }
0x7a: {  	_ =	shalt  }
0x7b: {  	_ =	shalt  }
0x7c: {  	_ =	shalt  }
0x7d: {  	_ =	shalt  }
0x7e: {  	_ =	shalt  }
0x7f: {  	_ =	shalt  }
0x80: {  	_ =	shalt  }
0x81: {  	_ =	shalt  }
0x82: {  	_ =	shalt  }
0x83: {  	_ =	shalt  }
0x84: {  	_ =	shalt  }
0x85: {  	_ =	shalt  }
0x86: {  	_ =	shalt  }
0x87: {  	_ =	shalt  }
.Lfunc_end0:
.L_simem_size_0:
called_computation_lowered:
.L_overlay_start_0:
0x88: {  	s2 =	sld [smem:$0x3FD9]  }
0x89: {  	s3 =	sld [smem:$0x3FFE];
	_ =	sdelay $0x1  }
0x8a: {  	s1 =	srdreg.scid  }
0x8b: {  	s0 =	sand.u32 $0x1, s1  }
0x8c: {  	s17 =	sshll.u32 s0, $0xA;
	s2 =	sadd.s32 s3, s2  }
0x8d: {  	s2 =	sadd.s32 s2, s17  }
0x8e: {  	[smem:$0x3FC5] =	sst s2  }
0x8f: {  	_ = 	snop  }
0x90: {  	s2 =	sld [smem:$0x3FC9]  }
0x91: {  	s18 =	sld [smem:$0x3FC7]  }
0x92: {  	s4 =	sld [smem:$0x3FD0];
	(tm) =	ssettm $0x1  }
0x93: {  	s5 =	sld [smem:$0x3FFB];
	_ =	sdelay $0x3  }
0x94: {  	_ =	strace s5  }
0x95: {  	s5 =	sld [smem:$0x3FFC];
	_ =	sdelay $0x3  }
0x96: {  	_ =	strace s5  }
0x97: {  	s5 =	sld [smem:$0x3FFD];
	_ =	sdelay $0x3  }
0x98: {  	_ =	strace s5  }
0x99: {  	_ =	strace $0x8FFFFFFF  }
0x9a: {  	s19 =	sld [smem:$0x3FDB];
	_ =	sdelay $0x1  }
0x9b: {  	s6 =	simm.s32 $_scs_section_size  }
0x9c: {  	s7 =	simm.s32 $_size__tile_overlayer_lowered;
	s8 =	simm.s32 $_tile_overlayer_lowered  }
0x9d: {  	s22 =	simm.s32 $0x1BFF;
	s21 =	sshll.u32 s8, $0x1;
	s5 =	sadd.s32 s6, s19  }
0x9e: {  	s9 =	simm.s32 $0x0;
	s20 =	sshll.u32 s7, $0x1;
	s7 =	sadd.s32 s21, s5  }
0x9f: {  	[timem:s9], [sflag:s22] =	dma.local [hbm:s7], s20  }
0xa0: {  	_ =	swait.ge [sflag:s22], s20  }
0xa1: {  	s6 =	ssub.s32 $0x0, s20;
	[sflag:s22] =	ssyncset.done $0x0  }
0xa2: {  	[sflag:s22] =	ssyncadd.s32 s6;
	_ =	sdelay $0x1  }
0xa3: {  	s23 =	simm.s32 $0x1B8B  }
0xa4: {  	_ =	swait.ge [sflag:s23], $0x1  }
0xa5: {  	[sflag:s23] =	ssyncset.done $0x0  }
0xa6: {  	s25 =	simm.s32 $0x1B8E;
	s24 =	sld [smem:$0x3FFE];
	[sflag:s23] =	ssyncadd.s32 $0xFFFFFFFF  }
0xa7: {  	s26 =	simm.s32 $execute0_lowered;
	[smem:$0x3FD2] =	sst s25  }
0xa8: {  	s7 =	sshll.u32 s26, $0x1;
	_ =	strace $0x80000046;
	[dreg:$0x1] =	wrdreg $0xFFFFFFFF  }
0xa9: {  	s28 =	simm.s32 $_size_execute0_lowered;
	s5 =	sadd.s32 s5, s7;
	[dreg:$0x0] =	wrdreg $0x0  }
0xaa: {  	s7 =	sshll.u32 s28, $0x1;
	[dreg:$0x2] =	wrdreg s5  }
0xab: {  	[dreg:$0x3] =	wrdreg s7  }
0xac: {  	[dreg:$0x4] =	wrdreg $0xC0  }
0xad: {  	_ =	task [dreg:s9], $0x5FFFF  }
0xae: {  	[dreg:$0x1] =	wrdreg $0xFFFFFFFF  }
0xaf: {  	[dreg:$0x0] =	wrdreg $0x60  }
0xb0: {  	[dreg:$0x2] =	wrdreg s2  }
0xb1: {  	[dreg:$0x3] =	wrdreg s24  }
0xb2: {  	[dreg:$0x4] =	wrdreg s18  }
0xb3: {  	[dreg:$0x5] =	wrdreg s4  }
0xb4: {  	[dreg:$0x6] =	wrdreg $0x9  }
0xb5: {  	_ =	task.clear_ibuf [dreg:s9], $0x7FFFF;
	_ =	strace $0x90000046  }
0xb6: {  	s29 =	simm.s32 $0x9;
	_ =	strace $0x80000048  }
0xb7: {  	_ =	swait.ge [sflag:s29], $0x1  }
0xb8: {  	[sflag:s29] =	ssyncadd.s32 $0xFFFFFFFF  }
0xb9: {  	_ =	strace $0x90000048  }
0xba: {  	_ =	sfence  }
0xbb: {  	s30 =	sld [smem:$0x0];
	_ =	sdelay $0x2  }
0xbc: {  	s31 =	sshll.u32 s1, $0xD;
	s1 =	sshrl.u32 s1, $0x2  }
0xbd: {  	s3 =	sand.u32 $0x4000, s31;
	s1 =	sadd.s32 s1, s30  }
0xbe: {  	s0 =	sor.u32 s3, s0;
	s1 =	sshll.u32 s1, $0x11  }
0xbf: {  	s0 =	sor.u32 s1, s0  }
0xc0: {  	s0 =	sadd.s32 $0x8F2B, s0  }
0xc1: {  	[sflag:s0] =	ssyncadd.remote.s32 $0x1  }
0xc2: {  	_ =	sfence.sel $0xFFFF  }
0xc3: {  	[dreg:$0x0] =	wrdreg $0xFFFFFFFF;
	(pc) =	sbr.abs _section_cstart, $3  }
0xc4: {  	[dreg:$0x1] =	wrdreg $0xFFFFFFFF  }
0xc5: {  	_ =	task.clear_ibuf [dreg:s9], $0x2FFFF;
	_ =	strace $0x9FFFFFFF  }
0xc6: {  	(tm) =	ssettm $0x7FFFFFFF  }
0xc7: {  	_ =	shalt  }
tec
execute0_lowered:
.L_overlay_start_1:
0x0: {  	(tag) =	ssettag $0x1  }
0x1: {  	s1 =	rddreg [dreg:$0x0]  }
0x2: {  	s5 =	rddreg [dreg:$0x1]  }
0x3: {  	s2 =	rddreg [dreg:$0x2]  }
0x4: {  	s7 =	rddreg [dreg:$0x3]  }
0x5: {  	s0 =	rddreg [dreg:$0x4];
	s6 =	srdreg.scid  }
0x6: {  	s4 =	simm.s32 $0x0;
	s3 =	stileid.u32;
	s11 =	simm.s32 $0x80  }
0x7: {  	s12 =	simm.s32 $0xD0;
	s13 =	simm.s32 $0x48;
	s14 =	simm.s32 $0x20D0  }
0x8: {  	s15 =	simm.s32 $0x1;
	s16 =	simm.s32 $0x3310;
	s17 =	simm.s32 $0x0  }
0x9: {  	s6 =	sand.u32 $0x1, s6;
	[smem:$0x7FF] =	sst s4;
	s9 =	sshll.u32 s3, $0x1  }
0xa: {  	s5 =	sadd.s32 $0xF42800, s5;
	s8 =	ssub.s32 $0x2, s6;
	s6 =	sor.u32 s6, s9  }
0xb: {  	_ =	strace $0x80000047;
	s10 =	sshrl.u32 s8, $0x1;
	s9 =	sshll.u32 s6, $0xA  }
0xc: {  	s6 =	sshll.u32 s6, $0x7;
	s8 =	ssub.s32 s8, s10;
	s7 =	sadd.s32 s7, s9  }
0xd: {  	v0 =	vimm.s32 $0x1;
	v1 =	vimm.s32 $0x0;
	s9 =	simm.s32 $0x32D0;
	s10 =	simm.s32 $0x2;
	s8 =	smax.u32 s8, $0x1  }
.LBB2_1:
0xe: {  	[tilespmem:s9], [sflag:$0x2] =	stream.linear.gather [hbm4b:s2+s4], $0x40, $0x38;
	[tilespmem:$0x5310] =	vst v63  }
0xf: {  	_ =	swait.ge [sflag:s10], $0x40  }
0x10: {  	[sflag:s10] =	ssyncset.done $0x0  }
0x11: {  	[sflag:s10] =	ssyncadd.s32 $0xFFFFFFC0  }
0x12: {  	s18 =	simm.s32 $0x0;
	[tilespmem:$0xC0] =	vst v0  }
.LBB2_2:
0x13: {  	s19 =	sadd.s32 s6, s18  }
0x14: {  	s19 =	smul.u32 $0x19, s19;
	_ =	sdelay $0x1  }
0x15: {  	s20 =	simm.s32 $0x0;
	s19 =	sadd.s32 s1, s19  }
0x16: {  	[tilespmem:s20], [sflag:$0x2] =	stream.linear.gather [hbm4b:s19+s20], $0xC8, $0x38;
	[tilespmem:$0x5310] =	vst v63  }
0x17: {  	_ =	swait.ge [sflag:s10], $0xC8  }
0x18: {  	[sflag:s10] =	ssyncset.done $0x0  }
0x19: {  	[sflag:s10] =	ssyncadd.s32 $0xFFFFFF38  }
0x1a: {  	[tilespmem:s12], [sflag:$0x1] =	stream.indirect.gather [hbm4b:s5+s11], $0x40, s20, s11, $0xb8;
	[tilespmem:$0x5310] =	vst v63  }
0x1b: {  	_ = 	snop  }
0x1c: {  	[tilespmem:s14], [sflag:$0x1] =	stream.indirect.gather [hbm4b:s5+s13], $0x40, s11, s13, $0xb8;
	[tilespmem:$0x5310] =	vst v63  }
0x1d: {  	_ =	swait.ge [sflag:s15], $0x2000  }
0x1e: {  	[sflag:s15] =	ssyncset.done $0x0  }
0x1f: {  	[sflag:s15] =	ssyncadd.s32 $0xFFFFE000  }
0x20: {  	_ =	swait.ge [sflag:s15], $0x1200  }
0x21: {  	[sflag:s15] =	ssyncset.done $0x0  }
0x22: {  	[sflag:s15] =	ssyncadd.s32 $0xFFFFEE00  }
0x23: {  	v21 =	vld [tilespmem:$0x0]  }
0x24: {  	v22 =	vld [tilespmem:$0x10]  }
0x25: {  	v20 =	vld [tilespmem:$0x20]  }
0x26: {  	v19 =	vld [tilespmem:$0x30]  }
0x27: {  	v18 =	vld [tilespmem:$0x40]  }
0x28: {  	v17 =	vld [tilespmem:$0x50]  }
0x29: {  	v16 =	vld [tilespmem:$0x60]  }
0x2a: {  	v15 =	vld [tilespmem:$0x70]  }
0x2b: {  	v14 =	vld [tilespmem:$0x80]  }
0x2c: {  	v13 =	vld [tilespmem:$0x90]  }
0x2d: {  	v12 =	vld [tilespmem:$0xA0]  }
0x2e: {  	v11 =	vld [tilespmem:$0xB0]  }
0x2f: {  	s19 =	simm.s32 $0x0;
	v10 =	vld [tilespmem:$0xC0]  }
0x30: {  	v4 =	vld [tilespmem:s19+$0x100]  }
0x31: {  	v5 =	vld [tilespmem:s19+$0xD0]  }
0x32: {  	v2 =	vimm.f32 $0.0e+00;
	v6 =	vld [tilespmem:s19+$0xE0]  }
0x33: {  	v7 =	vimm.f32 $0.0e+00;
	v24 =	vimm.f32 $0.0e+00;
	v25 =	vimm.f32 $0.0e+00;
	s20 =	simm.s32 $0x100;
	v23 =	vld [tilespmem:s19+$0xF0]  }
.LBB2_3:
0x34: {  	p0 =	sne.s32 s20, $0x7F00  }
.Ltmp0:
0x35: {  	s21 =	sshra.s32 s20, $0x2;
	s20 =	sadd.s32 $0x100, s20;
	v2 =	vadd.f32 v4, v2;
	(pc) =	sbr.rel @p0 .LBB2_3-.Ltmp0, $4  }
0x36: {  	v4 =	vld [tilespmem:s21+$0x100];
	v7 =	vadd.f32 v5, v7  }
0x37: {  	v5 =	vld [tilespmem:s21+$0xD0];
	v24 =	vadd.f32 v6, v24  }
0x38: {  	v6 =	vld [tilespmem:s21+$0xE0];
	v25 =	vadd.f32 v23, v25  }
0x39: {  	v23 =	vld [tilespmem:s21+$0xF0]  }
0x3a: {  	_ = 	snop  }
0x3b: {  	v3 =	vld [tilespmem:s19+$0x2100]  }
0x3c: {  	v9 =	vld [tilespmem:s19+$0x20D0]  }
0x3d: {  	v2 =	vadd.f32 v4, v2;
	v8 =	vadd.f32 v5, v7;
	v7 =	vld [tilespmem:s19+$0x20E0]  }
0x3e: {  	s20 =	simm.s32 $0x100;
	v5 =	vld [tilespmem:s19+$0x20F0];
	v6 =	vadd.f32 v6, v24;
	v4 =	vadd.f32 v23, v25  }
.LBB2_5:
0x3f: {  	p0 =	sne.s32 s20, $0x4700  }
.Ltmp1:
0x40: {  	s19 =	sshra.s32 s20, $0x2;
	s20 =	sadd.s32 $0x100, s20;
	v2 =	vadd.f32 v3, v2;
	(pc) =	sbr.rel @p0 .LBB2_5-.Ltmp1, $4  }
0x41: {  	v3 =	vld [tilespmem:s19+$0x2100];
	v8 =	vadd.f32 v9, v8  }
0x42: {  	v9 =	vld [tilespmem:s19+$0x20D0];
	v6 =	vadd.f32 v7, v6  }
0x43: {  	v7 =	vld [tilespmem:s19+$0x20E0];
	v4 =	vadd.f32 v5, v4  }
0x44: {  	v5 =	vld [tilespmem:s19+$0x20F0]  }
0x45: {  	vm0 =	veq.s32 v21, $0x0;
	vm1 =	veq.s32 v22, $0x0  }
0x46: {  	vm5 =	veq.s32 v20, $0x0;
	v21 =	vsel vm0, $0x1, v1;
	v22 =	vsel vm1, $0x1, v1  }
0x47: {  	vm6 =	veq.s32 v19, $0x0;
	v37 =	vsel vm5, $0x1, v1;
	v36 =	vadd.s32 v21, v22  }
0x48: {  	vm7 =	veq.s32 v18, $0x0;
	v39 =	vsel vm6, $0x1, v1;
	v38 =	vadd.s32 v37, v36  }
0x49: {  	vm8 =	veq.s32 v17, $0x0;
	v41 =	vsel vm7, $0x1, v1;
	v40 =	vadd.s32 v39, v38  }
0x4a: {  	vm9 =	veq.s32 v16, $0x0;
	v43 =	vsel vm8, $0x1, v1;
	v42 =	vadd.s32 v41, v40  }
0x4b: {  	vm10 =	veq.s32 v15, $0x0;
	v45 =	vsel vm9, $0x1, v1;
	v44 =	vadd.s32 v43, v42  }
0x4c: {  	vm11 =	veq.s32 v14, $0x0;
	v47 =	vsel vm10, $0x1, v1;
	v46 =	vadd.s32 v45, v44  }
0x4d: {  	vm12 =	veq.s32 v13, $0x0;
	v49 =	vsel vm11, $0x1, v1;
	v48 =	vadd.s32 v47, v46  }
0x4e: {  	vm13 =	veq.s32 v12, $0x0;
	v51 =	vsel vm12, $0x1, v1;
	v50 =	vadd.s32 v49, v48  }
0x4f: {  	vm14 =	veq.s32 v11, $0x0;
	v53 =	vsel vm13, $0x1, v1;
	v52 =	vadd.s32 v51, v50  }
0x50: {  	vm15 =	veq.s32 v10, $0x0;
	v55 =	vsel vm14, $0x1, v1;
	v54 =	vadd.s32 v53, v52  }
0x51: {  	v57 =	vsel vm15, $0x1, v1;
	v56 =	vadd.s32 v55, v54  }
0x52: {  	v10 =	vadd.s32 v57, v56  }
0x53: {  	(v2sf) =	vpush v10, $0x0  }
0x54: {  	(v2sf) =	vpush v10, $0x1  }
0x55: {  	(v2sf) =	vpush v10, $0x2  }
0x56: {  	(v2sf) =	vpush v10, $0x3  }
0x57: {  	(v2sf) =	vpush v10, $0x4  }
0x58: {  	(v2sf) =	vpush v10, $0x5  }
0x59: {  	(v2sf) =	vpush v10, $0x6  }
0x5a: {  	(v2sf) =	vpush v10, $0x7  }
0x5b: {  	(v2sf) =	vpush v10, $0x8  }
0x5c: {  	(v2sf) =	vpush v10, $0x9  }
0x5d: {  	(v2sf) =	vpush v10, $0xA  }
0x5e: {  	(v2sf) =	vpush v10, $0xB  }
0x5f: {  	(v2sf) =	vpush v10, $0xC  }
0x60: {  	(v2sf) =	vpush v10, $0xD  }
0x61: {  	(v2sf) =	vpush v10, $0xE  }
0x62: {  	s19 =	spop (v2sf);
	(v2sf) =	vpush v10, $0xF  }
0x63: {  	s20 =	spop (v2sf)  }
0x64: {  	s19 =	sadd.s32 s20, s19;
	s26 =	spop (v2sf)  }
0x65: {  	s19 =	sadd.s32 s26, s19;
	s28 =	spop (v2sf)  }
0x66: {  	s19 =	sadd.s32 s28, s19;
	s29 =	spop (v2sf)  }
0x67: {  	s19 =	sadd.s32 s29, s19;
	s30 =	spop (v2sf)  }
0x68: {  	s19 =	sadd.s32 s30, s19;
	s31 =	spop (v2sf)  }
0x69: {  	s19 =	sadd.s32 s31, s19;
	s21 =	spop (v2sf)  }
0x6a: {  	s19 =	sadd.s32 s21, s19;
	s22 =	spop (v2sf)  }
0x6b: {  	s19 =	sadd.s32 s22, s19;
	s23 =	spop (v2sf)  }
0x6c: {  	s19 =	sadd.s32 s23, s19;
	s24 =	spop (v2sf)  }
0x6d: {  	s19 =	sadd.s32 s24, s19;
	s25 =	spop (v2sf)  }
0x6e: {  	s19 =	sadd.s32 s25, s19;
	s26 =	spop (v2sf)  }
0x6f: {  	s19 =	sadd.s32 s26, s19;
	s28 =	spop (v2sf)  }
0x70: {  	s19 =	sadd.s32 s28, s19;
	s29 =	spop (v2sf)  }
0x71: {  	s19 =	sadd.s32 s29, s19;
	s30 =	spop (v2sf)  }
0x72: {  	s19 =	sadd.s32 s30, s19  }
0x73: {  	s19 =	scvt.s32.f32 s19;
	_ =	sdelay $0x1  }
0x74: {  	v58 =	vmov s19  }
0x75: {  	v10 =	vsub.f32 $2.000000000e+02, v58;
	_ =	sdelay $0x1  }
0x76: {  	v10 =	vadd.f32 $9.999999930e-09, v10;
	_ =	sdelay $0x1  }
0x77: {  	(erf) = vrcp.f32 v10  }
0x78: {  	v59 =	vld [tilespmem:$0x32D0];
	_ =	sdelay $0x4  }
0x79: {  	v8 =	vadd.f32 v9, v8;
	v60 =	vmul.f32 s19, v59;
	_ =	sdelay $0x1  }
0x7a: {  	v8 =	vsub.f32 v8, v60  }
0x7b: {  	v61 =	vpop (erf)  }
0x7c: {  	s31 =	sshll.u32 s18, $0x6;
	v8 =	vmul.f32 v8, v61  }
0x7d: {  	s20 =	sand.u32 $0x3FFFFFC0, s31  }
0x7e: {  	[tilespmem:s20+$0x3310] =	vst v8  }
0x7f: {  	v8 =	vld [tilespmem:$0x32E0];
	_ =	sdelay $0x4  }
0x80: {  	v6 =	vadd.f32 v7, v6;
	v62 =	vmul.f32 s19, v8;
	_ =	sdelay $0x1  }
0x81: {  	v6 =	vsub.f32 v6, v62;
	_ =	sdelay $0x1  }
0x82: {  	v6 =	vmul.f32 v6, v61;
	_ =	sdelay $0x1  }
0x83: {  	[tilespmem:s20+$0x3320] =	vst v6  }
0x84: {  	v6 =	vld [tilespmem:$0x32F0];
	_ =	sdelay $0x4  }
0x85: {  	v4 =	vadd.f32 v5, v4;
	v63 =	vmul.f32 s19, v6;
	_ =	sdelay $0x1  }
0x86: {  	v4 =	vsub.f32 v4, v63;
	_ =	sdelay $0x1  }
0x87: {  	v4 =	vmul.f32 v4, v61;
	_ =	sdelay $0x1  }
0x88: {  	[tilespmem:s20+$0x3330] =	vst v4  }
0x89: {  	v4 =	vld [tilespmem:$0x3300];
	_ =	sdelay $0x4  }
0x8a: {  	v2 =	vadd.f32 v3, v2;
	s18 =	sadd.s32 $0x1, s18;
	v3 =	vmul.f32 s19, v4  }
0x8b: {  	p0 =	sne.s32 s18, $0x80  }
.Ltmp2:
0x8c: {  	v2 =	vsub.f32 v2, v3;
	(pc) =	sbr.rel @p0 .LBB2_2-.Ltmp2, $3  }
0x8d: {  	_ = 	snop  }
0x8e: {  	v2 =	vmul.f32 v2, v61;
	_ =	sdelay $0x1  }
0x8f: {  	[tilespmem:s20+$0x3340] =	vst v2  }
0x90: {  	s17 =	sadd.s32 $0x1, s17  }
0x91: {  	p0 =	sne.s32 s17, s8  }
.Ltmp3:
0x92: {  	_ = 	snop;
	(pc) =	sbr.rel @p0 .LBB2_1-.Ltmp3, $4  }
0x93: {  	[hbm4b:s7+s4] =	stream.linear.scatter [tilespmem:s16], [sflag:$0x2], $0x2000, $0x38;
	[tilespmem:$0x5310] =	vst v63  }
0x94: {  	_ =	swait.ge [sflag:s10], $0x2000  }
0x95: {  	[sflag:s10] =	ssyncset.done $0x0  }
0x96: {  	[sflag:s10] =	ssyncadd.s32 $0xFFFFE000  }
0x97: {  	_ =	sfence.sel $0x180000  }
0x98: {  	[bflag:$0x0] =	sbarrier.arrive $0xFFFF  }
0x99: {  	p0 =	sne.s32 s3, $0x0;
	_ =	strace $0x90000047  }
0x9a: {  	s0 =	sadd.s32 @!p0 $0x100000, s0;
	[bflag:$0x2] =	sbarrier.arrive $0xFFFF  }
0x9b: {  	[sflag:s0] =	ssyncadd.tile.s32 @!p0 $0x1;
	_ =	shalt  }
.Lfunc_end2:
_tile_overlayer_lowered:
.L_overlay_start_2:
0x9c: {  	(tag) =	ssettag $0x2  }
0x9d: {  	s0 =	rddreg [dreg:$0x0];
	s2 =	stileid.u32  }
0x9e: {  	s1 =	rddreg [dreg:$0x1];
	p0 =	sne.s32 s2, $0x0  }
0x9f: {  	s3 =	rddreg [dreg:$0x2];
	[bflag:$0x3] =	sbarrier.arrive $0xFFFF;
	s2 =	simm.s32 @!p0 $0x1C02  }
0xa0: {  	[timem:s3], [sflag:s2] =	dma.local @!p0 [hbm:s0], s1  }
0xa1: {  	s0 =	simm.s32 @!p0 $0x2  }
0xa2: {  	_ =	swait.ge @!p0 [sflag:s0], s1  }
0xa3: {  	s1 =	ssub.s32 @!p0 $0x0, s1;
	[sflag:s0] =	ssyncset.done @!p0 $0x0  }
0xa4: {  	[sflag:s0] =	ssyncadd.s32 @!p0 s1  }
0xa5: {  	[bflag:$0x3] =	sbarrier.arrive $0xFFFF  }
0xa6: {  	_ =	shalt  }

</sc_bundles>
